<compile_context>
chip_gen: v7x
topology: tpu7x:2x2x1
jax: 0.10.2.dev20260603
libtpu: 0.0.44.dev20260713+nightly
codegen_flags: <defaults>
</compile_context>

<pallas_src>
import functools

import jax
import jax.numpy as jnp
from jax import lax
from jax.experimental import pallas as pl
from jax.experimental.pallas import tpu as pltpu
from jax.experimental.pallas import tpu_sc as plsc

_N_STEPS = 50
_IN_C = 64
_OUT_C = 512
_BATCH = 16384

_ROWS = 64

_NC = 2
_NS = 16
_NW = _NC * _NS
_BPW = _BATCH // _NW
_CH = 64
_NCH = _BPW // _CH


def _mlp_body(emb_ref, w1_ref, b1_ref, a1_ref, w2_ref, b2_ref, a2_ref, out_ref):
    emb = emb_ref[...]
    h = lax.dot_general(emb, w1_ref[...], (((1,), (1,)), ((), ())),
                        preferred_element_type=jnp.float32,
                        precision=lax.Precision.HIGHEST)
    h = h + b1_ref[...]
    a1 = a1_ref[0, 0]
    h = jnp.where(h >= 0, h, a1 * h)
    o = lax.dot_general(h, w2_ref[...], (((1,), (1,)), ((), ())),
                        preferred_element_type=jnp.float32,
                        precision=lax.Precision.HIGHEST)
    o = o + b2_ref[...]
    a2 = a2_ref[0, 0]
    out_ref[...] = jnp.where(o >= 0, o, a2 * o)


def _make_table(emb_pad, W1, b1, a1, W2, b2, a2):
    return pl.pallas_call(
        _mlp_body,
        out_shape=jax.ShapeDtypeStruct((_ROWS, _OUT_C), jnp.float32),
    )(emb_pad, W1, b1.reshape(1, _OUT_C), a1.reshape(1, 1),
      W2, b2.reshape(1, _OUT_C), a2.reshape(1, 1))


_NBUF = 2
_TEC_GROUPS = 2


@functools.partial(
    pl.kernel,
    out_type=jax.ShapeDtypeStruct((_BATCH, _OUT_C), jnp.float32),
    mesh=plsc.VectorSubcoreMesh(core_axis_name="c", subcore_axis_name="s"),
    scratch_types=(
        [pltpu.VMEM((_BPW,), jnp.int32)]
        + [pltpu.VMEM((_CH, _OUT_C), jnp.float32)] * _NBUF
        + [pltpu.VMEM((_ROWS, _OUT_C), jnp.float32)]
        + [pltpu.VMEM_SHARED((_ROWS, _OUT_C), jnp.float32)]
        + [pltpu.SemaphoreType.DMA] * (_NBUF + 1)
    ),
)
def _gather_rows(table_hbm, idx_hbm, out_hbm, idx_v, buf0, buf1, table_v,
                 table_sh, wsem0, wsem1, rsem):
    bufs = (buf0, buf1)
    wsems = (wsem0, wsem1)
    sid = lax.axis_index("s")
    wid = sid * _NC + lax.axis_index("c")
    base = wid * _BPW
    pltpu.sync_copy(idx_hbm.at[pl.ds(base, _BPW)], idx_v)

    @pl.when(sid == 0)
    def _():
        pltpu.sync_copy(table_hbm, table_sh)

    plsc.subcore_barrier()
    pltpu.sync_copy(table_sh, table_v)

    wh = [None, None]
    for c in range(_NCH):
        s = c % 2
        if wh[s] is not None:
            wh[s].wait()

        rowh = []

        def gbody(g, carry, _c=c, _s=s):
            iv = idx_v[pl.ds(_c * _CH + g * 16, 16)]
            rs = [iv[l] for l in range(16)]
            jb = g * 16

            def kbody(k, carry2):
                for u in range(8):
                    col = pl.ds((k * 8 + u) * 16, 16)
                    vals = [table_v[rs[l], col] for l in range(16)]
                    for l in range(16):
                        bufs[_s][jb + l, col] = vals[l]
                return carry2

            lax.fori_loop(0, _OUT_C // 128, kbody, 0)
            return carry

        del gbody
        wh[s] = pltpu.async_copy(
            bufs[s], out_hbm.at[pl.ds(base + c * _CH, _CH)], wsems[s])
    wh[0].wait()
    wh[1].wait()


def kernel(t, W1, b1, a1, W2, b2, a2):
    steps = jnp.arange(_N_STEPS, dtype=jnp.float32)[:, None]
    dims = jnp.arange(_IN_C, dtype=jnp.float32)[None, :]
    tab = steps * 10.0 ** (dims * 4.0 / (_IN_C - 1))
    emb = jnp.concatenate([jnp.sin(tab), jnp.cos(tab)], axis=1)
    emb_pad = jnp.pad(emb, ((0, _ROWS - _N_STEPS), (0, 0)))

    table = _make_table(emb_pad, W1, b1, a1, W2, b2, a2)
    return _gather_rows(table, t.astype(jnp.int32))

# --- scband reference (transcript-rebuilt; emitter-appended) ---
"""Pipeline reference for scband-emb-83837761618141 (READ-ONLY COPY).

The authoritative reference and input builder live on the scoring server;
editing this copy changes nothing except your own understanding.
"""

import jax, jax.numpy as jnp
import numpy as np

N_STEPS = 50
IN_C = 64
OUT_C = 512
BATCH = 16384


def build_emb():
    steps = jnp.arange(N_STEPS, dtype=jnp.float32)[:, None]
    dims = jnp.arange(IN_C, dtype=jnp.float32)[None, :]
    table = steps * 10.0 ** (dims * 4.0 / (IN_C - 1))
    return jnp.concatenate([jnp.sin(table), jnp.cos(table)], axis=1)


def setup_inputs(seed: int = 0) -> dict:
    key = jax.random.key(seed)
    ks = jax.random.split(key, 6)
    t = jax.random.randint(ks[0], (BATCH,), 0, N_STEPS)
    W1 = jax.random.normal(ks[1], (OUT_C, 2 * IN_C), dtype=jnp.float32) / np.sqrt(2 * IN_C)
    b1 = jnp.zeros((OUT_C,), dtype=jnp.float32)
    a1 = jnp.asarray(0.25, dtype=jnp.float32)
    W2 = jax.random.normal(ks[2], (OUT_C, OUT_C), dtype=jnp.float32) / np.sqrt(OUT_C)
    b2 = jnp.zeros((OUT_C,), dtype=jnp.float32)
    a2 = jnp.asarray(0.25, dtype=jnp.float32)
    return {"t": t, "W1": W1, "b1": b1, "a1": a1, "W2": W2, "b2": b2, "a2": a2}


def reference(t, W1, b1, a1, W2, b2, a2):
    emb = build_emb()
    # integer dtype path of Emb.forward: x = self.emb[t]  (gather)
    x = jnp.take(emb, t, axis=0)
    # proj1 + PReLU
    x = x @ W1.T + b1
    x = jnp.where(x >= 0, x, a1 * x)
    # proj2 + PReLU
    x = x @ W2.T + b2
    x = jnp.where(x >= 0, x, a2 * x)
    return x

if __name__ == "__main__":
    import jax
    _d = setup_inputs()
    print(jax.jit(kernel)(*tuple(_d.values())))

</pallas_src>

<mosaic_0001>
#map = affine_map<(d0, d1) -> (0, 0)>
#map1 = affine_map<(d0, d1) -> (0)>
module attributes {stable_mosaic.version = 14 : i64} {
  func.func @_gather_rows(%arg0: i32, %arg1: i32, %arg2: memref<64x512xf32, #tpu.memory_space<hbm>>, %arg3: memref<16384xi32, #tpu.memory_space<hbm>>, %arg4: memref<16384x512xf32, #tpu.memory_space<hbm>>, %arg5: memref<512xi32, #tpu.memory_space<vmem>>, %arg6: memref<64x512xf32, #tpu.memory_space<vmem>>, %arg7: memref<64x512xf32, #tpu.memory_space<vmem>>, %arg8: memref<64x512xf32, #tpu.memory_space<vmem>>, %arg9: memref<64x512xf32, #tpu.memory_space<vmem_shared>>, %arg10: memref<!tpu.dma_semaphore, #tpu.memory_space<semaphore_mem>>, %arg11: memref<!tpu.dma_semaphore, #tpu.memory_space<semaphore_mem>>, %arg12: memref<!tpu.dma_semaphore, #tpu.memory_space<semaphore_mem>>) attributes {dimension_semantics = [#tpu.dimension_semantics<core_parallel>, #tpu.dimension_semantics<subcore_parallel>], iteration_bounds = array<i64: 2, 16>, scalar_prefetch = 0 : i64, scratch_operands = 8 : i64, tpu.core_type = #tpu.core_type<sc_vector_subcore>, window_params = [{transform_indices = #map}, {transform_indices = #map1}, {transform_indices = #map}]} {
    %mul3A = arith.constant 2 : i32
    %mul3A_0 = arith.muli %arg1, %mul3A : i32
    %add3A = arith.addi %mul3A_0, %arg0 : i32
    %mul3A_1 = arith.constant 512 : i32
    %mul3A_2 = arith.muli %add3A, %mul3A_1 : i32
    "tpu.region"() ({
      %run_scoped3A = tpu.sem_alloc : memref<!tpu.dma_semaphore, #tpu.memory_space<semaphore_mem>>
      %dma_start3A_83 = tpu.memref_slice %arg3[%mul3A_2] : memref<16384xi32, #tpu.memory_space<hbm>> -> memref<512xi32, #tpu.memory_space<hbm>>
      %dma_start3A_84 = tpu.memref_slice %arg3[%mul3A_2] : memref<16384xi32, #tpu.memory_space<hbm>> -> memref<512xi32, #tpu.memory_space<hbm>>
      tpu.enqueue_dma source(%dma_start3A_84 : memref<512xi32, #tpu.memory_space<hbm>>) target(%arg5 : memref<512xi32, #tpu.memory_space<vmem>>) target_semaphore(%run_scoped3A : memref<!tpu.dma_semaphore, #tpu.memory_space<semaphore_mem>>)
      %dma_wait3A_85 = tpu.memref_slice %arg3[%mul3A_2] : memref<16384xi32, #tpu.memory_space<hbm>> -> memref<512xi32, #tpu.memory_space<hbm>>
      %dma_wait3A_86 = tpu.memref_slice %arg3[%mul3A_2] : memref<16384xi32, #tpu.memory_space<hbm>> -> memref<512xi32, #tpu.memory_space<hbm>>
      tpu.wait_dma2 semaphore(%run_scoped3A : memref<!tpu.dma_semaphore, #tpu.memory_space<semaphore_mem>>) src(%dma_wait3A_86 : memref<512xi32, #tpu.memory_space<hbm>>) dst(%arg5 : memref<512xi32, #tpu.memory_space<vmem>>)
      tpu.yield
    }) : () -> ()
    %eq3A = arith.constant 0 : i32
    %eq3A_3 = arith.cmpi eq, %arg1, %eq3A : i32
    %convert_element_type3A = arith.extui %eq3A_3 : i1 to i32
    %cond3A = arith.constant 0 : i32
    %cond3A_4 = arith.cmpi ne, %convert_element_type3A, %cond3A : i32
    scf.if %cond3A_4 {
      "tpu.region"() ({
        %run_scoped3A = tpu.sem_alloc : memref<!tpu.dma_semaphore, #tpu.memory_space<semaphore_mem>>
        tpu.enqueue_dma source(%arg2 : memref<64x512xf32, #tpu.memory_space<hbm>>) target(%arg9 : memref<64x512xf32, #tpu.memory_space<vmem_shared>>) target_semaphore(%run_scoped3A : memref<!tpu.dma_semaphore, #tpu.memory_space<semaphore_mem>>)
        tpu.wait_dma2 semaphore(%run_scoped3A : memref<!tpu.dma_semaphore, #tpu.memory_space<semaphore_mem>>) src(%arg2 : memref<64x512xf32, #tpu.memory_space<hbm>>) dst(%arg9 : memref<64x512xf32, #tpu.memory_space<vmem_shared>>)
        tpu.yield
      }) : () -> ()
    } else {
    }
    %barrier3A = arith.constant 0 : index
    tpu.barrier barrier_id(%barrier3A)
    "tpu.region"() ({
      %run_scoped3A = tpu.sem_alloc : memref<!tpu.dma_semaphore, #tpu.memory_space<semaphore_mem>>
      tpu.enqueue_dma source(%arg9 : memref<64x512xf32, #tpu.memory_space<vmem_shared>>) target(%arg8 : memref<64x512xf32, #tpu.memory_space<vmem>>) target_semaphore(%run_scoped3A : memref<!tpu.dma_semaphore, #tpu.memory_space<semaphore_mem>>)
      tpu.wait_dma2 semaphore(%run_scoped3A : memref<!tpu.dma_semaphore, #tpu.memory_space<semaphore_mem>>) src(%arg9 : memref<64x512xf32, #tpu.memory_space<vmem_shared>>) dst(%arg8 : memref<64x512xf32, #tpu.memory_space<vmem>>)
      tpu.yield
    }) : () -> ()
    %add3A_5 = arith.constant 0 : i32
    %add3A_6 = arith.addi %mul3A_2, %add3A_5 : i32
    %dma_start3A = arith.constant 0 : i32
    %dma_start3A_7 = tpu.memref_slice %arg4[%add3A_6, %dma_start3A] : memref<16384x512xf32, #tpu.memory_space<hbm>> -> memref<64x512xf32, #tpu.memory_space<hbm>>
    %dma_start3A_8 = arith.constant 0 : i32
    %dma_start3A_9 = tpu.memref_slice %arg4[%add3A_6, %dma_start3A_8] : memref<16384x512xf32, #tpu.memory_space<hbm>> -> memref<64x512xf32, #tpu.memory_space<hbm>>
    tpu.enqueue_dma source(%arg6 : memref<64x512xf32, #tpu.memory_space<vmem>>) target(%dma_start3A_9 : memref<64x512xf32, #tpu.memory_space<hbm>>) target_semaphore(%arg10 : memref<!tpu.dma_semaphore, #tpu.memory_space<semaphore_mem>>)
    %add3A_10 = arith.constant 64 : i32
    %add3A_11 = arith.addi %mul3A_2, %add3A_10 : i32
    %dma_start3A_12 = arith.constant 0 : i32
    %dma_start3A_13 = tpu.memref_slice %arg4[%add3A_11, %dma_start3A_12] : memref<16384x512xf32, #tpu.memory_space<hbm>> -> memref<64x512xf32, #tpu.memory_space<hbm>>
    %dma_start3A_14 = arith.constant 0 : i32
    %dma_start3A_15 = tpu.memref_slice %arg4[%add3A_11, %dma_start3A_14] : memref<16384x512xf32, #tpu.memory_space<hbm>> -> memref<64x512xf32, #tpu.memory_space<hbm>>
    tpu.enqueue_dma source(%arg7 : memref<64x512xf32, #tpu.memory_space<vmem>>) target(%dma_start3A_15 : memref<64x512xf32, #tpu.memory_space<hbm>>) target_semaphore(%arg11 : memref<!tpu.dma_semaphore, #tpu.memory_space<semaphore_mem>>)
    %dma_wait3A = arith.constant 0 : i32
    %dma_wait3A_16 = tpu.memref_slice %arg4[%add3A_6, %dma_wait3A] : memref<16384x512xf32, #tpu.memory_space<hbm>> -> memref<64x512xf32, #tpu.memory_space<hbm>>
    %dma_wait3A_17 = arith.constant 0 : i32
    %dma_wait3A_18 = tpu.memref_slice %arg4[%add3A_6, %dma_wait3A_17] : memref<16384x512xf32, #tpu.memory_space<hbm>> -> memref<64x512xf32, #tpu.memory_space<hbm>>
    tpu.wait_dma2 semaphore(%arg10 : memref<!tpu.dma_semaphore, #tpu.memory_space<semaphore_mem>>) src(%arg6 : memref<64x512xf32, #tpu.memory_space<vmem>>) dst(%dma_wait3A_18 : memref<64x512xf32, #tpu.memory_space<hbm>>)
    %add3A_19 = arith.constant 128 : i32
    %add3A_20 = arith.addi %mul3A_2, %add3A_19 : i32
    %dma_start3A_21 = arith.constant 0 : i32
    %dma_start3A_22 = tpu.memref_slice %arg4[%add3A_20, %dma_start3A_21] : memref<16384x512xf32, #tpu.memory_space<hbm>> -> memref<64x512xf32, #tpu.memory_space<hbm>>
    %dma_start3A_23 = arith.constant 0 : i32
    %dma_start3A_24 = tpu.memref_slice %arg4[%add3A_20, %dma_start3A_23] : memref<16384x512xf32, #tpu.memory_space<hbm>> -> memref<64x512xf32, #tpu.memory_space<hbm>>
    tpu.enqueue_dma source(%arg6 : memref<64x512xf32, #tpu.memory_space<vmem>>) target(%dma_start3A_24 : memref<64x512xf32, #tpu.memory_space<hbm>>) target_semaphore(%arg10 : memref<!tpu.dma_semaphore, #tpu.memory_space<semaphore_mem>>)
    %dma_wait3A_25 = arith.constant 0 : i32
    %dma_wait3A_26 = tpu.memref_slice %arg4[%add3A_11, %dma_wait3A_25] : memref<16384x512xf32, #tpu.memory_space<hbm>> -> memref<64x512xf32, #tpu.memory_space<hbm>>
    %dma_wait3A_27 = arith.constant 0 : i32
    %dma_wait3A_28 = tpu.memref_slice %arg4[%add3A_11, %dma_wait3A_27] : memref<16384x512xf32, #tpu.memory_space<hbm>> -> memref<64x512xf32, #tpu.memory_space<hbm>>
    tpu.wait_dma2 semaphore(%arg11 : memref<!tpu.dma_semaphore, #tpu.memory_space<semaphore_mem>>) src(%arg7 : memref<64x512xf32, #tpu.memory_space<vmem>>) dst(%dma_wait3A_28 : memref<64x512xf32, #tpu.memory_space<hbm>>)
    %add3A_29 = arith.constant 192 : i32
    %add3A_30 = arith.addi %mul3A_2, %add3A_29 : i32
    %dma_start3A_31 = arith.constant 0 : i32
    %dma_start3A_32 = tpu.memref_slice %arg4[%add3A_30, %dma_start3A_31] : memref<16384x512xf32, #tpu.memory_space<hbm>> -> memref<64x512xf32, #tpu.memory_space<hbm>>
    %dma_start3A_33 = arith.constant 0 : i32
    %dma_start3A_34 = tpu.memref_slice %arg4[%add3A_30, %dma_start3A_33] : memref<16384x512xf32, #tpu.memory_space<hbm>> -> memref<64x512xf32, #tpu.memory_space<hbm>>
    tpu.enqueue_dma source(%arg7 : memref<64x512xf32, #tpu.memory_space<vmem>>) target(%dma_start3A_34 : memref<64x512xf32, #tpu.memory_space<hbm>>) target_semaphore(%arg11 : memref<!tpu.dma_semaphore, #tpu.memory_space<semaphore_mem>>)
    %dma_wait3A_35 = arith.constant 0 : i32
    %dma_wait3A_36 = tpu.memref_slice %arg4[%add3A_20, %dma_wait3A_35] : memref<16384x512xf32, #tpu.memory_space<hbm>> -> memref<64x512xf32, #tpu.memory_space<hbm>>
    %dma_wait3A_37 = arith.constant 0 : i32
    %dma_wait3A_38 = tpu.memref_slice %arg4[%add3A_20, %dma_wait3A_37] : memref<16384x512xf32, #tpu.memory_space<hbm>> -> memref<64x512xf32, #tpu.memory_space<hbm>>
    tpu.wait_dma2 semaphore(%arg10 : memref<!tpu.dma_semaphore, #tpu.memory_space<semaphore_mem>>) src(%arg6 : memref<64x512xf32, #tpu.memory_space<vmem>>) dst(%dma_wait3A_38 : memref<64x512xf32, #tpu.memory_space<hbm>>)
    %add3A_39 = arith.constant 256 : i32
    %add3A_40 = arith.addi %mul3A_2, %add3A_39 : i32
    %dma_start3A_41 = arith.constant 0 : i32
    %dma_start3A_42 = tpu.memref_slice %arg4[%add3A_40, %dma_start3A_41] : memref<16384x512xf32, #tpu.memory_space<hbm>> -> memref<64x512xf32, #tpu.memory_space<hbm>>
    %dma_start3A_43 = arith.constant 0 : i32
    %dma_start3A_44 = tpu.memref_slice %arg4[%add3A_40, %dma_start3A_43] : memref<16384x512xf32, #tpu.memory_space<hbm>> -> memref<64x512xf32, #tpu.memory_space<hbm>>
    tpu.enqueue_dma source(%arg6 : memref<64x512xf32, #tpu.memory_space<vmem>>) target(%dma_start3A_44 : memref<64x512xf32, #tpu.memory_space<hbm>>) target_semaphore(%arg10 : memref<!tpu.dma_semaphore, #tpu.memory_space<semaphore_mem>>)
    %dma_wait3A_45 = arith.constant 0 : i32
    %dma_wait3A_46 = tpu.memref_slice %arg4[%add3A_30, %dma_wait3A_45] : memref<16384x512xf32, #tpu.memory_space<hbm>> -> memref<64x512xf32, #tpu.memory_space<hbm>>
    %dma_wait3A_47 = arith.constant 0 : i32
    %dma_wait3A_48 = tpu.memref_slice %arg4[%add3A_30, %dma_wait3A_47] : memref<16384x512xf32, #tpu.memory_space<hbm>> -> memref<64x512xf32, #tpu.memory_space<hbm>>
    tpu.wait_dma2 semaphore(%arg11 : memref<!tpu.dma_semaphore, #tpu.memory_space<semaphore_mem>>) src(%arg7 : memref<64x512xf32, #tpu.memory_space<vmem>>) dst(%dma_wait3A_48 : memref<64x512xf32, #tpu.memory_space<hbm>>)
    %add3A_49 = arith.constant 320 : i32
    %add3A_50 = arith.addi %mul3A_2, %add3A_49 : i32
    %dma_start3A_51 = arith.constant 0 : i32
    %dma_start3A_52 = tpu.memref_slice %arg4[%add3A_50, %dma_start3A_51] : memref<16384x512xf32, #tpu.memory_space<hbm>> -> memref<64x512xf32, #tpu.memory_space<hbm>>
    %dma_start3A_53 = arith.constant 0 : i32
    %dma_start3A_54 = tpu.memref_slice %arg4[%add3A_50, %dma_start3A_53] : memref<16384x512xf32, #tpu.memory_space<hbm>> -> memref<64x512xf32, #tpu.memory_space<hbm>>
    tpu.enqueue_dma source(%arg7 : memref<64x512xf32, #tpu.memory_space<vmem>>) target(%dma_start3A_54 : memref<64x512xf32, #tpu.memory_space<hbm>>) target_semaphore(%arg11 : memref<!tpu.dma_semaphore, #tpu.memory_space<semaphore_mem>>)
    %dma_wait3A_55 = arith.constant 0 : i32
    %dma_wait3A_56 = tpu.memref_slice %arg4[%add3A_40, %dma_wait3A_55] : memref<16384x512xf32, #tpu.memory_space<hbm>> -> memref<64x512xf32, #tpu.memory_space<hbm>>
    %dma_wait3A_57 = arith.constant 0 : i32
    %dma_wait3A_58 = tpu.memref_slice %arg4[%add3A_40, %dma_wait3A_57] : memref<16384x512xf32, #tpu.memory_space<hbm>> -> memref<64x512xf32, #tpu.memory_space<hbm>>
    tpu.wait_dma2 semaphore(%arg10 : memref<!tpu.dma_semaphore, #tpu.memory_space<semaphore_mem>>) src(%arg6 : memref<64x512xf32, #tpu.memory_space<vmem>>) dst(%dma_wait3A_58 : memref<64x512xf32, #tpu.memory_space<hbm>>)
    %add3A_59 = arith.constant 384 : i32
    %add3A_60 = arith.addi %mul3A_2, %add3A_59 : i32
    %dma_start3A_61 = arith.constant 0 : i32
    %dma_start3A_62 = tpu.memref_slice %arg4[%add3A_60, %dma_start3A_61] : memref<16384x512xf32, #tpu.memory_space<hbm>> -> memref<64x512xf32, #tpu.memory_space<hbm>>
    %dma_start3A_63 = arith.constant 0 : i32
    %dma_start3A_64 = tpu.memref_slice %arg4[%add3A_60, %dma_start3A_63] : memref<16384x512xf32, #tpu.memory_space<hbm>> -> memref<64x512xf32, #tpu.memory_space<hbm>>
    tpu.enqueue_dma source(%arg6 : memref<64x512xf32, #tpu.memory_space<vmem>>) target(%dma_start3A_64 : memref<64x512xf32, #tpu.memory_space<hbm>>) target_semaphore(%arg10 : memref<!tpu.dma_semaphore, #tpu.memory_space<semaphore_mem>>)
    %dma_wait3A_65 = arith.constant 0 : i32
    %dma_wait3A_66 = tpu.memref_slice %arg4[%add3A_50, %dma_wait3A_65] : memref<16384x512xf32, #tpu.memory_space<hbm>> -> memref<64x512xf32, #tpu.memory_space<hbm>>
    %dma_wait3A_67 = arith.constant 0 : i32
    %dma_wait3A_68 = tpu.memref_slice %arg4[%add3A_50, %dma_wait3A_67] : memref<16384x512xf32, #tpu.memory_space<hbm>> -> memref<64x512xf32, #tpu.memory_space<hbm>>
    tpu.wait_dma2 semaphore(%arg11 : memref<!tpu.dma_semaphore, #tpu.memory_space<semaphore_mem>>) src(%arg7 : memref<64x512xf32, #tpu.memory_space<vmem>>) dst(%dma_wait3A_68 : memref<64x512xf32, #tpu.memory_space<hbm>>)
    %add3A_69 = arith.constant 448 : i32
    %add3A_70 = arith.addi %mul3A_2, %add3A_69 : i32
    %dma_start3A_71 = arith.constant 0 : i32
    %dma_start3A_72 = tpu.memref_slice %arg4[%add3A_70, %dma_start3A_71] : memref<16384x512xf32, #tpu.memory_space<hbm>> -> memref<64x512xf32, #tpu.memory_space<hbm>>
    %dma_start3A_73 = arith.constant 0 : i32
    %dma_start3A_74 = tpu.memref_slice %arg4[%add3A_70, %dma_start3A_73] : memref<16384x512xf32, #tpu.memory_space<hbm>> -> memref<64x512xf32, #tpu.memory_space<hbm>>
    tpu.enqueue_dma source(%arg7 : memref<64x512xf32, #tpu.memory_space<vmem>>) target(%dma_start3A_74 : memref<64x512xf32, #tpu.memory_space<hbm>>) target_semaphore(%arg11 : memref<!tpu.dma_semaphore, #tpu.memory_space<semaphore_mem>>)
    %dma_wait3A_75 = arith.constant 0 : i32
    %dma_wait3A_76 = tpu.memref_slice %arg4[%add3A_60, %dma_wait3A_75] : memref<16384x512xf32, #tpu.memory_space<hbm>> -> memref<64x512xf32, #tpu.memory_space<hbm>>
    %dma_wait3A_77 = arith.constant 0 : i32
    %dma_wait3A_78 = tpu.memref_slice %arg4[%add3A_60, %dma_wait3A_77] : memref<16384x512xf32, #tpu.memory_space<hbm>> -> memref<64x512xf32, #tpu.memory_space<hbm>>
    tpu.wait_dma2 semaphore(%arg10 : memref<!tpu.dma_semaphore, #tpu.memory_space<semaphore_mem>>) src(%arg6 : memref<64x512xf32, #tpu.memory_space<vmem>>) dst(%dma_wait3A_78 : memref<64x512xf32, #tpu.memory_space<hbm>>)
    %dma_wait3A_79 = arith.constant 0 : i32
    %dma_wait3A_80 = tpu.memref_slice %arg4[%add3A_70, %dma_wait3A_79] : memref<16384x512xf32, #tpu.memory_space<hbm>> -> memref<64x512xf32, #tpu.memory_space<hbm>>
    %dma_wait3A_81 = arith.constant 0 : i32
    %dma_wait3A_82 = tpu.memref_slice %arg4[%add3A_70, %dma_wait3A_81] : memref<16384x512xf32, #tpu.memory_space<hbm>> -> memref<64x512xf32, #tpu.memory_space<hbm>>
    tpu.wait_dma2 semaphore(%arg11 : memref<!tpu.dma_semaphore, #tpu.memory_space<semaphore_mem>>) src(%arg7 : memref<64x512xf32, #tpu.memory_space<vmem>>) dst(%dma_wait3A_82 : memref<64x512xf32, #tpu.memory_space<hbm>>)
    return
  }
}

module attributes {stable_mosaic.version = 14 : i64} {
  func.func @_mlp_body(%arg0: memref<64x128xf32, #tpu.memory_space<vmem>>, %arg1: memref<512x128xf32, #tpu.memory_space<vmem>>, %arg2: memref<1x512xf32, #tpu.memory_space<vmem>>, %arg3: memref<1x1xf32, #tpu.memory_space<vmem>>, %arg4: memref<512x512xf32, #tpu.memory_space<vmem>>, %arg5: memref<1x512xf32, #tpu.memory_space<vmem>>, %arg6: memref<1x1xf32, #tpu.memory_space<vmem>>, %arg7: memref<64x512xf32, #tpu.memory_space<vmem>>) attributes {dimension_semantics = [], scalar_prefetch = 0 : i64, scratch_operands = 0 : i64, tpu.core_type = #tpu.core_type<tc>} {
    %get3A = arith.constant 0 : index
    %get3A_0 = arith.constant 0 : index
    %get3A_1 = vector.load %arg0[%get3A, %get3A_0] : memref<64x128xf32, #tpu.memory_space<vmem>>, vector<64x128xf32>
    %get3A_2 = arith.constant 0 : index
    %get3A_3 = arith.constant 0 : index
    %get3A_4 = vector.load %arg1[%get3A_2, %get3A_3] : memref<512x128xf32, #tpu.memory_space<vmem>>, vector<512x128xf32>
    %dot_general3A = arith.constant dense<0.000000e+00> : vector<64x512xf32>
    %dot_general3A_5 = tpu.matmul %get3A_1, %get3A_4, %dot_general3A {dimension_numbers = #tpu.dot_dimension_numbers<[1], [1], [0], [0], [0, 0, 1, 0], [], []>, precision = #tpu.contract_precision<fp32>, transpose_lhs_hint = false} : vector<64x128xf32>, vector<512x128xf32>, vector<64x512xf32> -> vector<64x512xf32>
    %get3A_6 = arith.constant 0 : index
    %get3A_7 = arith.constant 0 : index
    %get3A_8 = vector.load %arg2[%get3A_6, %get3A_7] : memref<1x512xf32, #tpu.memory_space<vmem>>, vector<1x512xf32>
    %add3A = vector.broadcast %get3A_8 : vector<1x512xf32> to vector<64x512xf32>
    %add3A_9 = arith.addf %dot_general3A_5, %add3A : vector<64x512xf32>
    %get3A_10 = arith.constant 0 : index
    %get3A_11 = arith.constant 0 : index
    %get3A_12 = vector.load %arg3[%get3A_10, %get3A_11] : memref<1x1xf32, #tpu.memory_space<vmem>>, vector<1x1xf32>
    %get3A_13 = vector.extract %get3A_12[0, 0] : f32 from vector<1x1xf32>
    %ge3A = arith.constant 0.000000e+00 : f32
    %ge3A_14 = vector.broadcast %ge3A : f32 to vector<64x512xf32>
    %ge3A_15 = arith.cmpf oge, %add3A_9, %ge3A_14 : vector<64x512xf32>
    %mul3A = vector.broadcast %get3A_13 : f32 to vector<64x512xf32>
    %mul3A_16 = arith.mulf %mul3A, %add3A_9 : vector<64x512xf32>
    %select_n3A = arith.select %ge3A_15, %add3A_9, %mul3A_16 : vector<64x512xi1>, vector<64x512xf32>
    %get3A_17 = arith.constant 0 : index
    %get3A_18 = arith.constant 0 : index
    %get3A_19 = vector.load %arg4[%get3A_17, %get3A_18] : memref<512x512xf32, #tpu.memory_space<vmem>>, vector<512x512xf32>
    %dot_general3A_20 = arith.constant dense<0.000000e+00> : vector<64x512xf32>
    %dot_general3A_21 = tpu.matmul %select_n3A, %get3A_19, %dot_general3A_20 {dimension_numbers = #tpu.dot_dimension_numbers<[1], [1], [0], [0], [0, 0, 1, 0], [], []>, precision = #tpu.contract_precision<fp32>, transpose_lhs_hint = false} : vector<64x512xf32>, vector<512x512xf32>, vector<64x512xf32> -> vector<64x512xf32>
    %get3A_22 = arith.constant 0 : index
    %get3A_23 = arith.constant 0 : index
    %get3A_24 = vector.load %arg5[%get3A_22, %get3A_23] : memref<1x512xf32, #tpu.memory_space<vmem>>, vector<1x512xf32>
    %add3A_25 = vector.broadcast %get3A_24 : vector<1x512xf32> to vector<64x512xf32>
    %add3A_26 = arith.addf %dot_general3A_21, %add3A_25 : vector<64x512xf32>
    %get3A_27 = arith.constant 0 : index
    %get3A_28 = arith.constant 0 : index
    %get3A_29 = vector.load %arg6[%get3A_27, %get3A_28] : memref<1x1xf32, #tpu.memory_space<vmem>>, vector<1x1xf32>
    %get3A_30 = vector.extract %get3A_29[0, 0] : f32 from vector<1x1xf32>
    %ge3A_31 = arith.constant 0.000000e+00 : f32
    %ge3A_32 = vector.broadcast %ge3A_31 : f32 to vector<64x512xf32>
    %ge3A_33 = arith.cmpf oge, %add3A_26, %ge3A_32 : vector<64x512xf32>
    %mul3A_34 = vector.broadcast %get3A_30 : f32 to vector<64x512xf32>
    %mul3A_35 = arith.mulf %mul3A_34, %add3A_26 : vector<64x512xf32>
    %select_n3A_36 = arith.select %ge3A_33, %add3A_26, %mul3A_35 : vector<64x512xi1>, vector<64x512xf32>
    %swap3A = arith.constant 0 : index
    %swap3A_37 = arith.constant 0 : index
    %swap3A_38 = vector.load %arg7[%swap3A, %swap3A_37] : memref<64x512xf32, #tpu.memory_space<vmem>>, vector<64x512xf32>
    tpu.vector_store %arg7[%swap3A, %swap3A_37], %select_n3A_36 {strides = array<i32>} : memref<64x512xf32, #tpu.memory_space<vmem>>, vector<64x512xf32>,
    return
  }
}

</mosaic_0001>

<sc_bundles>
// kernel: kernel.4.cloned.1.call-start
scs
__scs_entry_jumppad:
0x0: {  	(pc) =	sbr.rel $0x88, $3  }
0x1: {  	(tag) =	ssettag $0x0;
	lr =	simm.s32 $0x1  }
0x2: {  	[smem:$0x3F9A] =	sst lr;
	_ =	strace $0xD0000000  }
0x3: {  	_ = 	snop  }
0x4: {  	_ = 	snop  }
0x5: {  	_ = 	snop  }
0x6: {  	_ = 	snop  }
0x7: {  	_ = 	snop  }
__scs_overlays_trampoline_lowered:
0x8: {  	[smem:$0x3FA9] =	sst s0  }
0x9: {  	[smem:$0x3FAA] =	sst s1  }
0xa: {  	[smem:$0x3FAB] =	sst s2  }
0xb: {  	[smem:$0x3FAC] =	sst s3  }
0xc: {  	[smem:$0x3FAD] =	sst s4  }
0xd: {  	[smem:$0x3FAE] =	sst s5  }
0xe: {  	[smem:$0x3FAF] =	sst s6  }
0xf: {  	[smem:$0x3FB0] =	sst s7  }
0x10: {  	[smem:$0x3FB1] =	sst s8  }
0x11: {  	[smem:$0x3FB2] =	sst s9;
	s0 =	simm.s32 @!p0 $0x0  }
0x12: {  	s1 =	sld [smem:$0x3F98];
	s0 =	simm.s32 @p0 $0x1  }
0x13: {  	[smem:$0x3FB3] =	sst s0;
	s0 =	simm.s32 @!p1 $0x0  }
0x14: {  	s2 =	sld [smem:$0x3F97];
	s0 =	simm.s32 @p1 $0x1  }
0x15: {  	[smem:$0x3FB4] =	sst s0;
	s0 =	simm.s32 @!p2 $0x0  }
0x16: {  	s3 =	sld [smem:$0x3FDB];
	s0 =	simm.s32 @p2 $0x1  }
0x17: {  	s4 =	simm.s32 $0x1BF5;
	[smem:$0x3FB6] =	sst s0  }
0x18: {  	s0 =	sld [smem:$0x3F99];
	_ =	swait.ge [sflag:s4], $0x0  }
0x19: {  	s7 =	sld [smem:$0x3F9A]  }
0x1a: {  	s8 =	sadd.s32 $0xFFFFE003, lr  }
0x1b: {  	s9 =	sadd.s32 $0xFFFFFEF7, lr;
	s5 =	simm.s32 $0xFFFFFFFF;
	p2 =	slt.u32 s8, $0xFFFFF086  }
0x1c: {  	p1 =	slt.u32 s9, $0xF7A;
	s5 =	simm.s32 @!p2 $0x0  }
0x1d: {  	s5 =	simm.s32 @p1 $0x1;
	p0 =	seq.s32 s7, s2  }
0x1e: {  	s7 =	smul.u32 @!p0 $0xF7A, s2;
	p2 =	seq.s32 @!p0 s5, $0x0  }
0x1f: {  	s9 =	smul.u32 $0xF7A, s1;
	s8 =	simm.s32 @!p0 $0x1BF5;
	p2 =	por !p2, p0  }
0x20: {  	[sflag:s8] =	ssyncset.s32 @!p0 $0xFFFFF086;
	s6 =	sadd.s32 @!p0 s3, s7;
	s7 =	simm.s32 @!p0 $0x108  }
0x21: {  	s3 =	sadd.s32 s3, s9;
	s6 =	sadd.s32 @!p0 $0x88, s6;
	s7 =	simm.s32 @p2 $0x1082  }
0x22: {  	[simem:s7], [sflag:s8] =	dma.local @!p0 [hbm:s6], $0xF7A  }
0x23: {  	s9 =	sor.u32 $0xD0000000, s2;
	s6 =	simm.s32 $0x108;
	_ =	swait.ge @!p0 [sflag:s8], $0x0  }
0x24: {  	s3 =	sadd.s32 $0x88, s3;
	s6 =	simm.s32 @!p1 $0x1082;
	[sflag:s4] =	ssyncset.s32 $0xFFFFF086  }
0x25: {  	[simem:s6], [sflag:s4] =	dma.local [hbm:s3], $0xF7A  }
0x26: {  	[smem:$0x3F9A] =	sst s1;
	(tag) =	ssettag s2;
	_ =	strace s9  }
0x27: {  	s1 =	sld [smem:$0x3FAA]  }
0x28: {  	s2 =	sld [smem:$0x3FAB]  }
0x29: {  	s4 =	sld [smem:$0x3FAD]  }
0x2a: {  	p0 =	seq.s32 s5, $0x0;
	s5 =	sld [smem:$0x3FAE]  }
0x2b: {  	s6 =	sld [smem:$0x3FAF]  }
0x2c: {  	s7 =	sld [smem:$0x3FB0]  }
0x2d: {  	s3 =	simm.s32 $0x108;
	s8 =	sld [smem:$0x3FB1]  }
0x2e: {  	s3 =	simm.s32 @!p0 $0x1082;
	s9 =	sld [smem:$0x3FB2]  }
0x2f: {  	lr =	sadd.s32 s0, s3;
	s0 =	sld [smem:$0x3FA9]  }
0x30: {  	s3 =	sld [smem:$0x3FAC]  }
0x31: {  	[smem:$0x3FB5] =	sst s10  }
0x32: {  	s10 =	sld [smem:$0x3FB3];
	_ =	sdelay $0x3  }
0x33: {  	p0 =	seq.s32 s10, $0x1;
	s10 =	sld [smem:$0x3FB5];
	_ =	sdelay $0x3  }
0x34: {  	[smem:$0x3FB5] =	sst s10  }
0x35: {  	s10 =	sld [smem:$0x3FB4];
	_ =	sdelay $0x3  }
0x36: {  	p1 =	seq.s32 s10, $0x1;
	s10 =	sld [smem:$0x3FB5];
	_ =	sdelay $0x3  }
0x37: {  	[smem:$0x3FB5] =	sst s10  }
0x38: {  	s10 =	sld [smem:$0x3FB6]  }
0x39: {  	_ = 	snop;
	(pc) =	sbr.ind lr, $3  }
0x3a: {  	_ = 	snop  }
0x3b: {  	_ = 	snop  }
0x3c: {  	p2 =	seq.s32 s10, $0x1;
	s10 =	sld [smem:$0x3FB5]  }
0x3d: {  	_ =	shalt  }
0x3e: {  	_ =	shalt  }
0x3f: {  	_ =	shalt  }
0x40: {  	_ =	shalt  }
0x41: {  	_ =	shalt  }
0x42: {  	_ =	shalt  }
0x43: {  	_ =	shalt  }
0x44: {  	_ =	shalt  }
0x45: {  	_ =	shalt  }
0x46: {  	_ =	shalt  }
0x47: {  	_ =	shalt  }
0x48: {  	_ =	shalt  }
0x49: {  	_ =	shalt  }
0x4a: {  	_ =	shalt  }
0x4b: {  	_ =	shalt  }
0x4c: {  	_ =	shalt  }
0x4d: {  	_ =	shalt  }
0x4e: {  	_ =	shalt  }
0x4f: {  	_ =	shalt  }
0x50: {  	_ =	shalt  }
0x51: {  	_ =	shalt  }
0x52: {  	_ =	shalt  }
0x53: {  	_ =	shalt  }
0x54: {  	_ =	shalt  }
0x55: {  	_ =	shalt  }
0x56: {  	_ =	shalt  }
0x57: {  	_ =	shalt  }
0x58: {  	_ =	shalt  }
0x59: {  	_ =	shalt  }
0x5a: {  	_ =	shalt  }
0x5b: {  	_ =	shalt  }
0x5c: {  	_ =	shalt  }
0x5d: {  	_ =	shalt  }
0x5e: {  	_ =	shalt  }
0x5f: {  	_ =	shalt  }
0x60: {  	_ =	shalt  }
0x61: {  	_ =	shalt  }
0x62: {  	_ =	shalt  }
0x63: {  	_ =	shalt  }
0x64: {  	_ =	shalt  }
0x65: {  	_ =	shalt  }
0x66: {  	_ =	shalt  }
0x67: {  	_ =	shalt  }
0x68: {  	_ =	shalt  }
0x69: {  	_ =	shalt  }
0x6a: {  	_ =	shalt  }
0x6b: {  	_ =	shalt  }
0x6c: {  	_ =	shalt  }
0x6d: {  	_ =	shalt  }
0x6e: {  	_ =	shalt  }
0x6f: {  	_ =	shalt  }
0x70: {  	_ =	shalt  }
0x71: {  	_ =	shalt  }
0x72: {  	_ =	shalt  }
0x73: {  	_ =	shalt  }
0x74: {  	_ =	shalt  }
0x75: {  	_ =	shalt  }
0x76: {  	_ =	shalt  }
0x77: {  	_ =	shalt  }
0x78: {  	_ =	shalt  }
0x79: {  	_ =	shalt  }
0x7a: {  	_ =	shalt  }
0x7b: {  	_ =	shalt  }
0x7c: {  	_ =	shalt  }
0x7d: {  	_ =	shalt  }
0x7e: {  	_ =	shalt  }
0x7f: {  	_ =	shalt  }
0x80: {  	_ =	shalt  }
0x81: {  	_ =	shalt  }
0x82: {  	_ =	shalt  }
0x83: {  	_ =	shalt  }
0x84: {  	_ =	shalt  }
0x85: {  	_ =	shalt  }
0x86: {  	_ =	shalt  }
0x87: {  	_ =	shalt  }
.Lfunc_end0:
.L_simem_size_0:
called_computation_lowered:
.L_overlay_start_0:
0x88: {  	s2 =	sld [smem:$0x3FD9]  }
0x89: {  	s3 =	sld [smem:$0x3FFE];
	_ =	sdelay $0x1  }
0x8a: {  	s1 =	srdreg.scid  }
0x8b: {  	s0 =	sand.u32 $0x1, s1  }
0x8c: {  	s17 =	sshll.u32 s0, $0xA;
	s2 =	sadd.s32 s3, s2  }
0x8d: {  	s2 =	sadd.s32 s2, s17  }
0x8e: {  	[smem:$0x3FC1] =	sst s2  }
0x8f: {  	_ = 	snop  }
0x90: {  	s2 =	sld [smem:$0x3FC9]  }
0x91: {  	s18 =	sld [smem:$0x3FD0];
	(tm) =	ssettm $0x1  }
0x92: {  	s4 =	sld [smem:$0x3FFB];
	_ =	sdelay $0x3  }
0x93: {  	_ =	strace s4  }
0x94: {  	s4 =	sld [smem:$0x3FFC];
	_ =	sdelay $0x3  }
0x95: {  	_ =	strace s4  }
0x96: {  	s4 =	sld [smem:$0x3FFD];
	_ =	sdelay $0x3  }
0x97: {  	_ =	strace s4  }
0x98: {  	_ =	strace $0x8FFFFFFF  }
0x99: {  	s19 =	sld [smem:$0x3FDB];
	_ =	sdelay $0x1  }
0x9a: {  	s5 =	simm.s32 $_scs_section_size  }
0x9b: {  	s6 =	simm.s32 $_size__tile_overlayer_lowered;
	s7 =	simm.s32 $_tile_overlayer_lowered  }
0x9c: {  	s22 =	simm.s32 $0x1BFF;
	s21 =	sshll.u32 s7, $0x1;
	s4 =	sadd.s32 s5, s19  }
0x9d: {  	s8 =	simm.s32 $0x0;
	s20 =	sshll.u32 s6, $0x1;
	s6 =	sadd.s32 s21, s4  }
0x9e: {  	[timem:s8], [sflag:s22] =	dma.local [hbm:s6], s20  }
0x9f: {  	_ =	swait.ge [sflag:s22], s20  }
0xa0: {  	s5 =	ssub.s32 $0x0, s20;
	[sflag:s22] =	ssyncset.done $0x0  }
0xa1: {  	[sflag:s22] =	ssyncadd.s32 s5;
	_ =	sdelay $0x1  }
0xa2: {  	s23 =	simm.s32 $0x1B8B  }
0xa3: {  	_ =	swait.ge [sflag:s23], $0x1  }
0xa4: {  	[sflag:s23] =	ssyncset.done $0x0  }
0xa5: {  	s25 =	simm.s32 $0x1B8E;
	s24 =	sld [smem:$0x3FFE];
	[sflag:s23] =	ssyncadd.s32 $0xFFFFFFFF  }
0xa6: {  	s26 =	simm.s32 $execute0_lowered;
	[smem:$0x3FD2] =	sst s25  }
0xa7: {  	s6 =	sshll.u32 s26, $0x1;
	_ =	strace $0x80000046;
	[dreg:$0x1] =	wrdreg $0xFFFFFFFF  }
0xa8: {  	s28 =	simm.s32 $_size_execute0_lowered;
	s4 =	sadd.s32 s4, s6;
	[dreg:$0x0] =	wrdreg $0x0  }
0xa9: {  	s6 =	sshll.u32 s28, $0x1;
	[dreg:$0x2] =	wrdreg s4  }
0xaa: {  	[dreg:$0x3] =	wrdreg s6  }
0xab: {  	[dreg:$0x4] =	wrdreg $0xC0  }
0xac: {  	_ =	task [dreg:s8], $0x5FFFF  }
0xad: {  	[dreg:$0x1] =	wrdreg $0xFFFFFFFF  }
0xae: {  	[dreg:$0x0] =	wrdreg $0x60  }
0xaf: {  	[dreg:$0x2] =	wrdreg s24  }
0xb0: {  	[dreg:$0x3] =	wrdreg s2  }
0xb1: {  	[dreg:$0x4] =	wrdreg s18  }
0xb2: {  	[dreg:$0x5] =	wrdreg $0x182000  }
0xb3: {  	[dreg:$0x6] =	wrdreg $0x9  }
0xb4: {  	_ =	task.clear_ibuf [dreg:s8], $0x7FFFF;
	_ =	strace $0x90000046  }
0xb5: {  	s29 =	simm.s32 $0x9;
	_ =	strace $0x80000048  }
0xb6: {  	_ =	swait.ge [sflag:s29], $0x1  }
0xb7: {  	[sflag:s29] =	ssyncadd.s32 $0xFFFFFFFF  }
0xb8: {  	_ =	strace $0x90000048  }
0xb9: {  	_ =	sfence  }
0xba: {  	s30 =	sld [smem:$0x0];
	_ =	sdelay $0x2  }
0xbb: {  	s31 =	sshll.u32 s1, $0xD;
	s1 =	sshrl.u32 s1, $0x2  }
0xbc: {  	s3 =	sand.u32 $0x4000, s31;
	s1 =	sadd.s32 s1, s30  }
0xbd: {  	s0 =	sor.u32 s3, s0;
	s1 =	sshll.u32 s1, $0x11  }
0xbe: {  	s0 =	sor.u32 s1, s0  }
0xbf: {  	s0 =	sadd.s32 $0x8F2B, s0  }
0xc0: {  	[sflag:s0] =	ssyncadd.remote.s32 $0x1  }
0xc1: {  	_ =	sfence.sel $0xFFFF  }
0xc2: {  	[dreg:$0x0] =	wrdreg $0xFFFFFFFF;
	(pc) =	sbr.abs _section_cstart, $3  }
0xc3: {  	[dreg:$0x1] =	wrdreg $0xFFFFFFFF  }
0xc4: {  	_ =	task.clear_ibuf [dreg:s8], $0x2FFFF;
	_ =	strace $0x9FFFFFFF  }
0xc5: {  	(tm) =	ssettm $0x7FFFFFFF  }
tec
execute0_lowered:
.L_overlay_start_1:
0x0: {  	(tag) =	ssettag $0x1  }
0x1: {  	s5 =	rddreg [dreg:$0x0]  }
0x2: {  	s3 =	rddreg [dreg:$0x1];
	s0 =	srdreg.scid  }
0x3: {  	s10 =	rddreg [dreg:$0x2];
	s6 =	stileid.u32;
	s21 =	sand.u32 $0x1, s0  }
0x4: {  	s1 =	rddreg [dreg:$0x3];
	s4 =	sshll.u32 s6, $0xA;
	s7 =	sshll.u32 s21, $0x9  }
0x5: {  	s2 =	simm.s32 $0x0;
	s0 =	rddreg [dreg:$0x4];
	s11 =	sor.u32 s7, s4  }
0x6: {  	[smem:$0x7FF] =	sst s2;
	s4 =	sshrl.u32 s11, $0x3  }
0x7: {  	_ =	strace $0x80000047;
	s3 =	sadd.s32 s3, s4;
	s4 =	simm.s32 $0x3  }
0x8: {  	[tilespmem:s2], [sflag:$0x3] =	stream.linear.gather [hbm4b:s3+s2], $0x200, $0x38;
	[tilespmem:$0x18A00] =	vst v63  }
0x9: {  	p0 =	sne.s32 s6, $0x0;
	_ =	swait.ge [sflag:s4], $0x200  }
0xa: {  	s5 =	sadd.s32 $0x1000, s5;
	s6 =	sshrl.u32 @!p0 s1, $0x3;
	[sflag:s4] =	ssyncset.done $0x0  }
0xb: {  	s8 =	simm.s32 @!p0 $0x3;
	s7 =	simm.s32 @!p0 $0x1C03;
	[sflag:s4] =	ssyncadd.s32 $0xFFFFFE00  }
0xc: {  	[spmem:s6], [sflag:s7] =	dma.local @!p0 [hbm:s5], $0x1000  }
0xd: {  	_ =	swait.ge @!p0 [sflag:s8], $0x1000  }
0xe: {  	[sflag:s8] =	ssyncset.done @!p0 $0x0  }
0xf: {  	[sflag:s8] =	ssyncadd.s32 @!p0 $0xFFFFF000  }
0x10: {  	s9 =	simm.s32 $0x10200;
	[bflag:$0x0] =	sbarrier.arrive $0xFFFF  }
0x11: {  	[tilespmem:s9], [sflag:$0x3] =	stream.linear.gather [spmem:s1], $0x8000, $0x38;
	[tilespmem:$0x18A00] =	vst v63  }
0x12: {  	_ =	swait.ge [sflag:s4], $0x8000  }
0x13: {  	s11 =	sshll.u32 s11, $0x6;
	[sflag:s4] =	ssyncset.done $0x0  }
0x14: {  	s10 =	sadd.s32 s10, s11;
	s11 =	simm.s32 $0x200;
	[sflag:s4] =	ssyncadd.s32 $0xFFFF8000  }
0x15: {  	[hbm4b:s10+s2] =	stream.linear.scatter [tilespmem:s11], [sflag:$0x1], $0x8000, $0x38;
	[tilespmem:$0x18A00] =	vst v63  }
0x16: {  	s13 =	simm.s32 $0x8200;
	s14 =	simm.s32 $0x1;
	s12 =	sadd.s32 $0x1000, s10  }
0x17: {  	[hbm4b:s12+s2] =	stream.linear.scatter [tilespmem:s13], [sflag:$0x2], $0x8000, $0x38;
	[tilespmem:$0x18A00] =	vst v63  }
0x18: {  	_ =	swait.ge [sflag:s14], $0x8000  }
0x19: {  	[sflag:s14] =	ssyncset.done $0x0  }
0x1a: {  	s15 =	simm.s32 $0x2;
	s16 =	sadd.s32 $0x2000, s10;
	[sflag:s14] =	ssyncadd.s32 $0xFFFF8000  }
0x1b: {  	[hbm4b:s16+s2] =	stream.linear.scatter [tilespmem:s11], [sflag:$0x1], $0x8000, $0x38;
	[tilespmem:$0x18A00] =	vst v63  }
0x1c: {  	_ =	swait.ge [sflag:s15], $0x8000  }
0x1d: {  	[sflag:s15] =	ssyncset.done $0x0  }
0x1e: {  	s17 =	sadd.s32 $0x3000, s10;
	[sflag:s15] =	ssyncadd.s32 $0xFFFF8000  }
0x1f: {  	[hbm4b:s17+s2] =	stream.linear.scatter [tilespmem:s13], [sflag:$0x2], $0x8000, $0x38;
	[tilespmem:$0x18A00] =	vst v63  }
0x20: {  	_ =	swait.ge [sflag:s14], $0x8000  }
0x21: {  	[sflag:s14] =	ssyncset.done $0x0  }
0x22: {  	s18 =	sadd.s32 $0x4000, s10;
	[sflag:s14] =	ssyncadd.s32 $0xFFFF8000  }
0x23: {  	[hbm4b:s18+s2] =	stream.linear.scatter [tilespmem:s11], [sflag:$0x1], $0x8000, $0x38;
	[tilespmem:$0x18A00] =	vst v63  }
0x24: {  	_ =	swait.ge [sflag:s15], $0x8000  }
0x25: {  	[sflag:s15] =	ssyncset.done $0x0  }
0x26: {  	s19 =	sadd.s32 $0x5000, s10;
	[sflag:s15] =	ssyncadd.s32 $0xFFFF8000  }
0x27: {  	[hbm4b:s19+s2] =	stream.linear.scatter [tilespmem:s13], [sflag:$0x2], $0x8000, $0x38;
	[tilespmem:$0x18A00] =	vst v63  }
0x28: {  	s22 =	ssub.s32 $0x2, s21;
	_ =	swait.ge [sflag:s14], $0x8000  }
0x29: {  	s23 =	sshrl.u32 s22, $0x1;
	[sflag:s14] =	ssyncset.done $0x0  }
0x2a: {  	s22 =	ssub.s32 s22, s23;
	s20 =	sadd.s32 $0x6000, s10;
	[sflag:s14] =	ssyncadd.s32 $0xFFFF8000  }
0x2b: {  	[hbm4b:s20+s2] =	stream.linear.scatter [tilespmem:s11], [sflag:$0x1], $0x8000, $0x38;
	[tilespmem:$0x18A00] =	vst v63  }
0x2c: {  	s22 =	smax.u32 s22, $0x1;
	_ =	swait.ge [sflag:s15], $0x8000  }
0x2d: {  	s22 =	sadd.s32 $0xFFFFFFFF, s22;
	[sflag:s15] =	ssyncset.done $0x0  }
0x2e: {  	s21 =	sadd.s32 $0x7000, s10;
	p1 =	sne.s32 s22, $0x0;
	[sflag:s15] =	ssyncadd.s32 $0xFFFF8000  }
0x2f: {  	[hbm4b:s21+s2] =	stream.linear.scatter [tilespmem:s13], [sflag:$0x2], $0x8000, $0x38;
	[tilespmem:$0x18A00] =	vst v63  }
.Ltmp0:
0x30: {  	_ =	swait.ge [sflag:s14], $0x8000;
	(pc) =	sbr.rel @!p1 .LBB2_2-.Ltmp0, $4  }
0x31: {  	[sflag:s14] =	ssyncset.done $0x0  }
0x32: {  	[sflag:s14] =	ssyncadd.s32 $0xFFFF8000  }
0x33: {  	_ =	swait.ge [sflag:s15], $0x8000  }
0x34: {  	[sflag:s15] =	ssyncset.done $0x0  }
.LBB2_1:
0x35: {  	s22 =	sadd.s32 $0xFFFFFFFF, s22;
	[sflag:s15] =	ssyncadd.s32 $0xFFFF8000  }
0x36: {  	[tilespmem:s2], [sflag:$0x3] =	stream.linear.gather [hbm4b:s3+s2], $0x200, $0x38;
	[tilespmem:$0x18A00] =	vst v63  }
0x37: {  	p1 =	sne.s32 s22, $0x0;
	_ =	swait.ge [sflag:s4], $0x200  }
0x38: {  	[sflag:s4] =	ssyncset.done $0x0  }
0x39: {  	[sflag:s4] =	ssyncadd.s32 $0xFFFFFE00  }
0x3a: {  	[spmem:s6], [sflag:s7] =	dma.local @!p0 [hbm:s5], $0x1000  }
0x3b: {  	_ =	swait.ge @!p0 [sflag:s8], $0x1000  }
0x3c: {  	[sflag:s8] =	ssyncset.done @!p0 $0x0  }
0x3d: {  	[sflag:s8] =	ssyncadd.s32 @!p0 $0xFFFFF000  }
0x3e: {  	[bflag:$0x0] =	sbarrier.arrive $0xFFFF  }
0x3f: {  	[tilespmem:s9], [sflag:$0x3] =	stream.linear.gather [spmem:s1], $0x8000, $0x38;
	[tilespmem:$0x18A00] =	vst v63  }
0x40: {  	_ =	swait.ge [sflag:s4], $0x8000  }
0x41: {  	[sflag:s4] =	ssyncset.done $0x0  }
0x42: {  	[sflag:s4] =	ssyncadd.s32 $0xFFFF8000  }
0x43: {  	[hbm4b:s10+s2] =	stream.linear.scatter [tilespmem:s11], [sflag:$0x1], $0x8000, $0x38;
	[tilespmem:$0x18A00] =	vst v63  }
0x44: {  	_ = 	snop  }
0x45: {  	[hbm4b:s12+s2] =	stream.linear.scatter [tilespmem:s13], [sflag:$0x2], $0x8000, $0x38;
	[tilespmem:$0x18A00] =	vst v63  }
0x46: {  	_ =	swait.ge [sflag:s14], $0x8000  }
0x47: {  	[sflag:s14] =	ssyncset.done $0x0  }
0x48: {  	[sflag:s14] =	ssyncadd.s32 $0xFFFF8000  }
0x49: {  	[hbm4b:s16+s2] =	stream.linear.scatter [tilespmem:s11], [sflag:$0x1], $0x8000, $0x38;
	[tilespmem:$0x18A00] =	vst v63  }
0x4a: {  	_ =	swait.ge [sflag:s15], $0x8000  }
0x4b: {  	[sflag:s15] =	ssyncset.done $0x0  }
0x4c: {  	[sflag:s15] =	ssyncadd.s32 $0xFFFF8000  }
0x4d: {  	[hbm4b:s17+s2] =	stream.linear.scatter [tilespmem:s13], [sflag:$0x2], $0x8000, $0x38;
	[tilespmem:$0x18A00] =	vst v63  }
0x4e: {  	_ =	swait.ge [sflag:s14], $0x8000  }
0x4f: {  	[sflag:s14] =	ssyncset.done $0x0  }
0x50: {  	[sflag:s14] =	ssyncadd.s32 $0xFFFF8000  }
0x51: {  	[hbm4b:s18+s2] =	stream.linear.scatter [tilespmem:s11], [sflag:$0x1], $0x8000, $0x38;
	[tilespmem:$0x18A00] =	vst v63  }
0x52: {  	_ =	swait.ge [sflag:s15], $0x8000  }
0x53: {  	[sflag:s15] =	ssyncset.done $0x0  }
0x54: {  	[sflag:s15] =	ssyncadd.s32 $0xFFFF8000  }
0x55: {  	[hbm4b:s19+s2] =	stream.linear.scatter [tilespmem:s13], [sflag:$0x2], $0x8000, $0x38;
	[tilespmem:$0x18A00] =	vst v63  }
0x56: {  	_ =	swait.ge [sflag:s14], $0x8000  }
0x57: {  	[sflag:s14] =	ssyncset.done $0x0  }
0x58: {  	[sflag:s14] =	ssyncadd.s32 $0xFFFF8000  }
0x59: {  	[hbm4b:s20+s2] =	stream.linear.scatter [tilespmem:s11], [sflag:$0x1], $0x8000, $0x38;
	[tilespmem:$0x18A00] =	vst v63  }
0x5a: {  	_ =	swait.ge [sflag:s15], $0x8000  }
0x5b: {  	[sflag:s15] =	ssyncset.done $0x0  }
0x5c: {  	[sflag:s15] =	ssyncadd.s32 $0xFFFF8000  }
0x5d: {  	[hbm4b:s21+s2] =	stream.linear.scatter [tilespmem:s13], [sflag:$0x2], $0x8000, $0x38;
	[tilespmem:$0x18A00] =	vst v63  }
.Ltmp1:
0x5e: {  	_ =	swait.ge [sflag:s14], $0x8000;
	(pc) =	sbr.rel @p1 .LBB2_1-.Ltmp1, $4  }
0x5f: {  	[sflag:s14] =	ssyncset.done $0x0  }
0x60: {  	[sflag:s14] =	ssyncadd.s32 $0xFFFF8000  }
0x61: {  	_ =	swait.ge [sflag:s15], $0x8000  }
0x62: {  	[sflag:s15] =	ssyncset.done $0x0  }
.LBB2_2:
0x63: {  	[sflag:s15] =	ssyncadd.s32 $0xFFFF8000  }
0x64: {  	_ =	sfence.sel $0x180000  }
0x65: {  	[bflag:$0x0] =	sbarrier.arrive $0xFFFF  }
0x66: {  	_ =	strace $0x90000047  }
0x67: {  	s0 =	sadd.s32 @!p0 $0x100000, s0;
	[bflag:$0x2] =	sbarrier.arrive $0xFFFF  }
0x68: {  	[sflag:s0] =	ssyncadd.tile.s32 @!p0 $0x1;
	_ =	shalt  }
.Lfunc_end2:
_tile_overlayer_lowered:
.L_overlay_start_2:
0x69: {  	(tag) =	ssettag $0x2  }
0x6a: {  	s0 =	rddreg [dreg:$0x0];
	s2 =	stileid.u32  }
0x6b: {  	s1 =	rddreg [dreg:$0x1];
	p0 =	sne.s32 s2, $0x0  }
0x6c: {  	s3 =	rddreg [dreg:$0x2];
	[bflag:$0x3] =	sbarrier.arrive $0xFFFF;
	s2 =	simm.s32 @!p0 $0x1C03  }
0x6d: {  	[timem:s3], [sflag:s2] =	dma.local @!p0 [hbm:s0], s1  }
0x6e: {  	s0 =	simm.s32 @!p0 $0x3  }
0x6f: {  	_ =	swait.ge @!p0 [sflag:s0], s1  }
0x70: {  	s1 =	ssub.s32 @!p0 $0x0, s1;
	[sflag:s0] =	ssyncset.done @!p0 $0x0  }
0x71: {  	[sflag:s0] =	ssyncadd.s32 @!p0 s1  }
0x72: {  	[bflag:$0x3] =	sbarrier.arrive $0xFFFF  }
0x73: {  	_ =	shalt  }

</sc_bundles>
